<compile_context>
chip_gen: v7x
topology: tpu7x:2x2x1
jax: 0.10.2.dev20260603
libtpu: 0.0.44.dev20260713+nightly
codegen_flags: <defaults>
</compile_context>

<pallas_src>
import functools

import jax
import jax.numpy as jnp
from jax import lax
from jax.experimental import pallas as pl
from jax.experimental.pallas import tpu as pltpu
from jax.experimental.pallas import tpu_sc as plsc

N_U = 4096
N_I = 4096
H = 128
RB = 128


def _prop_body(s_ref, atl_ref, atr_ref, abl_ref, abr_ref, u_ref, it_ref,
               ws_ref, wi_ref, outu_ref, outi_ref):
    i = pl.program_id(0)
    u_full = u_ref[...]
    it_full = it_ref[...]

    su = jnp.dot(s_ref[...], u_full, preferred_element_type=jnp.float32)
    au = (jnp.dot(atl_ref[...], u_full, preferred_element_type=jnp.float32)
          + jnp.dot(atr_ref[...], it_full, preferred_element_type=jnp.float32))
    ai = (jnp.dot(abl_ref[...], u_full, preferred_element_type=jnp.float32)
          + jnp.dot(abr_ref[...], it_full, preferred_element_type=jnp.float32))

    tu_s = jnp.tanh(jnp.dot(su, ws_ref[...], preferred_element_type=jnp.float32))
    tu_a = jnp.tanh(jnp.dot(au, wi_ref[...], preferred_element_type=jnp.float32))
    ti_a = jnp.tanh(jnp.dot(ai, wi_ref[...], preferred_element_type=jnp.float32))

    u_blk = u_ref[pl.ds(i * RB, RB), :]
    i_blk = it_ref[pl.ds(i * RB, RB), :]

    outu_ref[...] = 0.75 * u_blk + 0.5 * tu_s + 0.25 * tu_a
    outi_ref[...] = 0.5 * i_blk + 0.5 * ti_a


def _propagate(S, A, user_embs, item_embs, W_s, W_i):
    nblk = N_U // RB
    return pl.pallas_call(
        _prop_body,
        grid=(nblk,),
        in_specs=[
            pl.BlockSpec((RB, N_U), lambda i: (i, 0)),
            pl.BlockSpec((RB, N_U), lambda i: (i, 0)),
            pl.BlockSpec((RB, N_I), lambda i: (i, 1)),
            pl.BlockSpec((RB, N_U), lambda i, n=nblk: (i + n, 0)),
            pl.BlockSpec((RB, N_I), lambda i, n=nblk: (i + n, 1)),
            pl.BlockSpec((N_U, H), lambda i: (0, 0)),
            pl.BlockSpec((N_I, H), lambda i: (0, 0)),
            pl.BlockSpec((H, H), lambda i: (0, 0)),
            pl.BlockSpec((H, H), lambda i: (0, 0)),
        ],
        out_specs=[
            pl.BlockSpec((RB, H), lambda i: (i, 0)),
            pl.BlockSpec((RB, H), lambda i: (i, 0)),
        ],
        out_shape=[
            jax.ShapeDtypeStruct((N_U, H), jnp.float32),
            jax.ShapeDtypeStruct((N_I, H), jnp.float32),
        ],
        compiler_params=pltpu.CompilerParams(
            vmem_limit_bytes=63 * 1024 * 1024),
    )(S, A, A, A, A, user_embs, item_embs, W_s, W_i)


def _make_gather(batch):
    info = plsc.get_sparse_core_info()
    nw = info.num_cores * info.num_subcores
    bpw = batch // nw
    mesh = plsc.VectorSubcoreMesh(core_axis_name="c", subcore_axis_name="s")

    hw = bpw // 2
    @functools.partial(
        pl.kernel, mesh=mesh,
        out_type=[jax.ShapeDtypeStruct((batch, H), jnp.float32)] * 3,
        scratch_types=(
            [pltpu.VMEM((hw,), jnp.int32)] * 6
            + [pltpu.VMEM((hw, H), jnp.float32)] * 6
            + [pltpu.SemaphoreType.DMA] * 6
        ),
    )
    def gather3(utab, itab, users, pos, neg, out_u, out_p, out_n, *scr):
        idx = scr[0:6]
        rows = scr[6:12]
        sem = scr[12:18]
        wid = lax.axis_index("s") * info.num_cores + lax.axis_index("c")
        base = wid * bpw
        srcs = (users, users, pos, pos, neg, neg)
        tabs = (utab, utab, itab, itab, itab, itab)
        outs = (out_u, out_u, out_p, out_p, out_n, out_n)
        sls = tuple(pl.ds(base + (k % 2) * hw, hw) for k in range(6))
        d = [pltpu.async_copy(srcs[k].at[sls[k]], idx[k], sem[k])
             for k in range(6)]
        g = []
        for k in range(6):
            d[k].wait()
            g.append(pltpu.async_copy(tabs[k].at[idx[k]], rows[k], sem[k]))
        s = []
        for k in range(6):
            g[k].wait()
            s.append(pltpu.async_copy(rows[k], outs[k].at[sls[k]], sem[k]))
        for k in range(6):
            s[k].wait()

    return gather3


def kernel(users, pos, neg, user_embs, item_embs, S, A, W_s, W_i):
    utab, itab = _propagate(S, A, user_embs, item_embs, W_s, W_i)
    gather3 = _make_gather(users.shape[0])
    users_emb, pos_emb, neg_emb = gather3(
        utab, itab, users.astype(jnp.int32), pos.astype(jnp.int32),
        neg.astype(jnp.int32))
    return (users_emb, pos_emb, neg_emb)

# --- scband reference (transcript-rebuilt; emitter-appended) ---
"""Pipeline reference for scband-graph-rec-53738630807721 (READ-ONLY COPY).

The authoritative reference and input builder live on the scoring server;
editing this copy changes nothing except your own understanding.
"""

import jax, jax.numpy as jnp
import numpy as np

N_USERS = 4096
N_ITEMS = 4096
HIDDEN = 128
BATCH = 4096

def setup_inputs(seed: int = 0) -> dict:
    key = jax.random.key(seed)
    ks = jax.random.split(key, 9)
    users = jax.random.randint(ks[0], (BATCH,), 0, N_USERS)
    pos = jax.random.randint(ks[1], (BATCH,), 0, N_ITEMS)
    neg = jax.random.randint(ks[2], (BATCH,), 0, N_ITEMS)
    user_embs = jax.random.normal(ks[3], (N_USERS, HIDDEN), dtype=jnp.float32)
    item_embs = jax.random.normal(ks[4], (N_ITEMS, HIDDEN), dtype=jnp.float32)
    # dense social adjacency (users x users) and dense bipartite adjacency ((U+I) x (U+I)),
    # scaled so that row-sums stay O(1) like a normalized adjacency
    S = jax.random.uniform(ks[5], (N_USERS, N_USERS), dtype=jnp.float32) * (2.0 / N_USERS)
    A = jax.random.uniform(ks[6], (N_USERS + N_ITEMS, N_USERS + N_ITEMS), dtype=jnp.float32) * (2.0 / (N_USERS + N_ITEMS))
    # xavier_uniform for the two hop-0 weight matrices
    scale = float(np.sqrt(6.0 / (HIDDEN + HIDDEN)))
    W_s = jax.random.uniform(ks[7], (HIDDEN, HIDDEN), minval=-scale, maxval=scale, dtype=jnp.float32)
    W_i = jax.random.uniform(ks[8], (HIDDEN, HIDDEN), minval=-scale, maxval=scale, dtype=jnp.float32)
    return {"users": users, "pos": pos, "neg": neg,
            "user_embs": user_embs, "item_embs": item_embs,
            "S": S, "A": A, "W_s": W_s, "W_i": W_i}


def reference(users, pos, neg, user_embs, item_embs, S, A, W_s, W_i):
    # GCN_s: social graph propagation (eval mode -> no dropout on S), hop = 1
    u = user_embs
    new_u = S @ u
    all_user_embs_S = jnp.tanh(new_u @ W_s) + u

    # GCN_a: user-item graph propagation, hop = 1
    all_emb = jnp.concatenate([user_embs, item_embs], axis=0)
    emb1 = jnp.tanh((A @ all_emb) @ W_i)
    # mean over the stacked layer embeddings [all_emb, emb1]
    light_out = 0.5 * (all_emb + emb1)
    all_user_embs_A = light_out[:N_USERS]
    all_item_embs = light_out[N_USERS:]

    all_user_embs = 0.5 * all_user_embs_S + 0.5 * all_user_embs_A

    users_emb = all_user_embs[users]
    pos_emb = all_item_embs[pos]
    neg_emb = all_item_embs[neg]
    return (users_emb, pos_emb, neg_emb)

if __name__ == "__main__":
    import jax
    _d = setup_inputs()
    print(jax.jit(kernel)(*tuple(_d.values())))

</pallas_src>

<mosaic_0001>
#map = affine_map<(d0, d1) -> (0, 0)>
#map1 = affine_map<(d0, d1) -> (0)>
module attributes {stable_mosaic.version = 14 : i64} {
  func.func @gather3(%arg0: i32, %arg1: i32, %arg2: memref<4096x128xf32, #tpu.memory_space<hbm>>, %arg3: memref<4096x128xf32, #tpu.memory_space<hbm>>, %arg4: memref<4096xi32, #tpu.memory_space<hbm>>, %arg5: memref<4096xi32, #tpu.memory_space<hbm>>, %arg6: memref<4096xi32, #tpu.memory_space<hbm>>, %arg7: memref<4096x128xf32, #tpu.memory_space<hbm>>, %arg8: memref<4096x128xf32, #tpu.memory_space<hbm>>, %arg9: memref<4096x128xf32, #tpu.memory_space<hbm>>, %arg10: memref<64xi32, #tpu.memory_space<vmem>>, %arg11: memref<64xi32, #tpu.memory_space<vmem>>, %arg12: memref<64xi32, #tpu.memory_space<vmem>>, %arg13: memref<64xi32, #tpu.memory_space<vmem>>, %arg14: memref<64xi32, #tpu.memory_space<vmem>>, %arg15: memref<64xi32, #tpu.memory_space<vmem>>, %arg16: memref<64x128xf32, #tpu.memory_space<vmem>>, %arg17: memref<64x128xf32, #tpu.memory_space<vmem>>, %arg18: memref<64x128xf32, #tpu.memory_space<vmem>>, %arg19: memref<64x128xf32, #tpu.memory_space<vmem>>, %arg20: memref<64x128xf32, #tpu.memory_space<vmem>>, %arg21: memref<64x128xf32, #tpu.memory_space<vmem>>, %arg22: memref<!tpu.dma_semaphore, #tpu.memory_space<semaphore_mem>>, %arg23: memref<!tpu.dma_semaphore, #tpu.memory_space<semaphore_mem>>, %arg24: memref<!tpu.dma_semaphore, #tpu.memory_space<semaphore_mem>>, %arg25: memref<!tpu.dma_semaphore, #tpu.memory_space<semaphore_mem>>, %arg26: memref<!tpu.dma_semaphore, #tpu.memory_space<semaphore_mem>>, %arg27: memref<!tpu.dma_semaphore, #tpu.memory_space<semaphore_mem>>) attributes {dimension_semantics = [#tpu.dimension_semantics<core_parallel>, #tpu.dimension_semantics<subcore_parallel>], iteration_bounds = array<i64: 2, 16>, scalar_prefetch = 0 : i64, scratch_operands = 18 : i64, tpu.core_type = #tpu.core_type<sc_vector_subcore>, window_params = [{transform_indices = #map}, {transform_indices = #map}, {transform_indices = #map1}, {transform_indices = #map1}, {transform_indices = #map1}, {transform_indices = #map}, {transform_indices = #map}, {transform_indices = #map}]} {
    %mul3A = arith.constant 2 : i32
    %mul3A_0 = arith.muli %arg1, %mul3A : i32
    %add3A = arith.addi %mul3A_0, %arg0 : i32
    %mul3A_1 = arith.constant 128 : i32
    %mul3A_2 = arith.muli %add3A, %mul3A_1 : i32
    %add3A_3 = arith.constant 0 : i32
    %add3A_4 = arith.addi %mul3A_2, %add3A_3 : i32
    %add3A_5 = arith.constant 64 : i32
    %add3A_6 = arith.addi %mul3A_2, %add3A_5 : i32
    %add3A_7 = arith.constant 0 : i32
    %add3A_8 = arith.addi %mul3A_2, %add3A_7 : i32
    %add3A_9 = arith.constant 64 : i32
    %add3A_10 = arith.addi %mul3A_2, %add3A_9 : i32
    %add3A_11 = arith.constant 0 : i32
    %add3A_12 = arith.addi %mul3A_2, %add3A_11 : i32
    %add3A_13 = arith.constant 64 : i32
    %add3A_14 = arith.addi %mul3A_2, %add3A_13 : i32
    %dma_start3A = tpu.memref_slice %arg4[%add3A_4] : memref<4096xi32, #tpu.memory_space<hbm>> -> memref<64xi32, #tpu.memory_space<hbm>>
    %dma_start3A_15 = tpu.memref_slice %arg4[%add3A_4] : memref<4096xi32, #tpu.memory_space<hbm>> -> memref<64xi32, #tpu.memory_space<hbm>>
    tpu.enqueue_dma source(%dma_start3A_15 : memref<64xi32, #tpu.memory_space<hbm>>) target(%arg10 : memref<64xi32, #tpu.memory_space<vmem>>) target_semaphore(%arg22 : memref<!tpu.dma_semaphore, #tpu.memory_space<semaphore_mem>>)
    %dma_start3A_16 = tpu.memref_slice %arg4[%add3A_6] : memref<4096xi32, #tpu.memory_space<hbm>> -> memref<64xi32, #tpu.memory_space<hbm>>
    %dma_start3A_17 = tpu.memref_slice %arg4[%add3A_6] : memref<4096xi32, #tpu.memory_space<hbm>> -> memref<64xi32, #tpu.memory_space<hbm>>
    tpu.enqueue_dma source(%dma_start3A_17 : memref<64xi32, #tpu.memory_space<hbm>>) target(%arg11 : memref<64xi32, #tpu.memory_space<vmem>>) target_semaphore(%arg23 : memref<!tpu.dma_semaphore, #tpu.memory_space<semaphore_mem>>)
    %dma_start3A_18 = tpu.memref_slice %arg5[%add3A_8] : memref<4096xi32, #tpu.memory_space<hbm>> -> memref<64xi32, #tpu.memory_space<hbm>>
    %dma_start3A_19 = tpu.memref_slice %arg5[%add3A_8] : memref<4096xi32, #tpu.memory_space<hbm>> -> memref<64xi32, #tpu.memory_space<hbm>>
    tpu.enqueue_dma source(%dma_start3A_19 : memref<64xi32, #tpu.memory_space<hbm>>) target(%arg12 : memref<64xi32, #tpu.memory_space<vmem>>) target_semaphore(%arg24 : memref<!tpu.dma_semaphore, #tpu.memory_space<semaphore_mem>>)
    %dma_start3A_20 = tpu.memref_slice %arg5[%add3A_10] : memref<4096xi32, #tpu.memory_space<hbm>> -> memref<64xi32, #tpu.memory_space<hbm>>
    %dma_start3A_21 = tpu.memref_slice %arg5[%add3A_10] : memref<4096xi32, #tpu.memory_space<hbm>> -> memref<64xi32, #tpu.memory_space<hbm>>
    tpu.enqueue_dma source(%dma_start3A_21 : memref<64xi32, #tpu.memory_space<hbm>>) target(%arg13 : memref<64xi32, #tpu.memory_space<vmem>>) target_semaphore(%arg25 : memref<!tpu.dma_semaphore, #tpu.memory_space<semaphore_mem>>)
    %dma_start3A_22 = tpu.memref_slice %arg6[%add3A_12] : memref<4096xi32, #tpu.memory_space<hbm>> -> memref<64xi32, #tpu.memory_space<hbm>>
    %dma_start3A_23 = tpu.memref_slice %arg6[%add3A_12] : memref<4096xi32, #tpu.memory_space<hbm>> -> memref<64xi32, #tpu.memory_space<hbm>>
    tpu.enqueue_dma source(%dma_start3A_23 : memref<64xi32, #tpu.memory_space<hbm>>) target(%arg14 : memref<64xi32, #tpu.memory_space<vmem>>) target_semaphore(%arg26 : memref<!tpu.dma_semaphore, #tpu.memory_space<semaphore_mem>>)
    %dma_start3A_24 = tpu.memref_slice %arg6[%add3A_14] : memref<4096xi32, #tpu.memory_space<hbm>> -> memref<64xi32, #tpu.memory_space<hbm>>
    %dma_start3A_25 = tpu.memref_slice %arg6[%add3A_14] : memref<4096xi32, #tpu.memory_space<hbm>> -> memref<64xi32, #tpu.memory_space<hbm>>
    tpu.enqueue_dma source(%dma_start3A_25 : memref<64xi32, #tpu.memory_space<hbm>>) target(%arg15 : memref<64xi32, #tpu.memory_space<vmem>>) target_semaphore(%arg27 : memref<!tpu.dma_semaphore, #tpu.memory_space<semaphore_mem>>)
    %dma_wait3A = tpu.memref_slice %arg4[%add3A_4] : memref<4096xi32, #tpu.memory_space<hbm>> -> memref<64xi32, #tpu.memory_space<hbm>>
    %dma_wait3A_26 = tpu.memref_slice %arg4[%add3A_4] : memref<4096xi32, #tpu.memory_space<hbm>> -> memref<64xi32, #tpu.memory_space<hbm>>
    tpu.wait_dma2 semaphore(%arg22 : memref<!tpu.dma_semaphore, #tpu.memory_space<semaphore_mem>>) src(%dma_wait3A_26 : memref<64xi32, #tpu.memory_space<hbm>>) dst(%arg10 : memref<64xi32, #tpu.memory_space<vmem>>)
    %dma_start3A_27 = arith.constant 0 : i32
    %dma_start3A_28 = arith.constant 0 : i32
    %dma_start3A_29 = tpu.memref_slice %arg2[%dma_start3A_27, %dma_start3A_28] : memref<4096x128xf32, #tpu.memory_space<hbm>> -> memref<4096x128xf32, #tpu.memory_space<hbm>>
    tpu.enqueue_indirect_dma source(%dma_start3A_29 : memref<4096x128xf32, #tpu.memory_space<hbm>>) target(%arg16 : memref<64x128xf32, #tpu.memory_space<vmem>>) offsets(%arg10 : memref<64xi32, #tpu.memory_space<vmem>>) semaphore(%arg22 : memref<!tpu.dma_semaphore, #tpu.memory_space<semaphore_mem>>)
    %dma_wait3A_30 = tpu.memref_slice %arg4[%add3A_6] : memref<4096xi32, #tpu.memory_space<hbm>> -> memref<64xi32, #tpu.memory_space<hbm>>
    %dma_wait3A_31 = tpu.memref_slice %arg4[%add3A_6] : memref<4096xi32, #tpu.memory_space<hbm>> -> memref<64xi32, #tpu.memory_space<hbm>>
    tpu.wait_dma2 semaphore(%arg23 : memref<!tpu.dma_semaphore, #tpu.memory_space<semaphore_mem>>) src(%dma_wait3A_31 : memref<64xi32, #tpu.memory_space<hbm>>) dst(%arg11 : memref<64xi32, #tpu.memory_space<vmem>>)
    %dma_start3A_32 = arith.constant 0 : i32
    %dma_start3A_33 = arith.constant 0 : i32
    %dma_start3A_34 = tpu.memref_slice %arg2[%dma_start3A_32, %dma_start3A_33] : memref<4096x128xf32, #tpu.memory_space<hbm>> -> memref<4096x128xf32, #tpu.memory_space<hbm>>
    tpu.enqueue_indirect_dma source(%dma_start3A_34 : memref<4096x128xf32, #tpu.memory_space<hbm>>) target(%arg17 : memref<64x128xf32, #tpu.memory_space<vmem>>) offsets(%arg11 : memref<64xi32, #tpu.memory_space<vmem>>) semaphore(%arg23 : memref<!tpu.dma_semaphore, #tpu.memory_space<semaphore_mem>>)
    %dma_wait3A_35 = tpu.memref_slice %arg5[%add3A_8] : memref<4096xi32, #tpu.memory_space<hbm>> -> memref<64xi32, #tpu.memory_space<hbm>>
    %dma_wait3A_36 = tpu.memref_slice %arg5[%add3A_8] : memref<4096xi32, #tpu.memory_space<hbm>> -> memref<64xi32, #tpu.memory_space<hbm>>
    tpu.wait_dma2 semaphore(%arg24 : memref<!tpu.dma_semaphore, #tpu.memory_space<semaphore_mem>>) src(%dma_wait3A_36 : memref<64xi32, #tpu.memory_space<hbm>>) dst(%arg12 : memref<64xi32, #tpu.memory_space<vmem>>)
    %dma_start3A_37 = arith.constant 0 : i32
    %dma_start3A_38 = arith.constant 0 : i32
    %dma_start3A_39 = tpu.memref_slice %arg3[%dma_start3A_37, %dma_start3A_38] : memref<4096x128xf32, #tpu.memory_space<hbm>> -> memref<4096x128xf32, #tpu.memory_space<hbm>>
    tpu.enqueue_indirect_dma source(%dma_start3A_39 : memref<4096x128xf32, #tpu.memory_space<hbm>>) target(%arg18 : memref<64x128xf32, #tpu.memory_space<vmem>>) offsets(%arg12 : memref<64xi32, #tpu.memory_space<vmem>>) semaphore(%arg24 : memref<!tpu.dma_semaphore, #tpu.memory_space<semaphore_mem>>)
    %dma_wait3A_40 = tpu.memref_slice %arg5[%add3A_10] : memref<4096xi32, #tpu.memory_space<hbm>> -> memref<64xi32, #tpu.memory_space<hbm>>
    %dma_wait3A_41 = tpu.memref_slice %arg5[%add3A_10] : memref<4096xi32, #tpu.memory_space<hbm>> -> memref<64xi32, #tpu.memory_space<hbm>>
    tpu.wait_dma2 semaphore(%arg25 : memref<!tpu.dma_semaphore, #tpu.memory_space<semaphore_mem>>) src(%dma_wait3A_41 : memref<64xi32, #tpu.memory_space<hbm>>) dst(%arg13 : memref<64xi32, #tpu.memory_space<vmem>>)
    %dma_start3A_42 = arith.constant 0 : i32
    %dma_start3A_43 = arith.constant 0 : i32
    %dma_start3A_44 = tpu.memref_slice %arg3[%dma_start3A_42, %dma_start3A_43] : memref<4096x128xf32, #tpu.memory_space<hbm>> -> memref<4096x128xf32, #tpu.memory_space<hbm>>
    tpu.enqueue_indirect_dma source(%dma_start3A_44 : memref<4096x128xf32, #tpu.memory_space<hbm>>) target(%arg19 : memref<64x128xf32, #tpu.memory_space<vmem>>) offsets(%arg13 : memref<64xi32, #tpu.memory_space<vmem>>) semaphore(%arg25 : memref<!tpu.dma_semaphore, #tpu.memory_space<semaphore_mem>>)
    %dma_wait3A_45 = tpu.memref_slice %arg6[%add3A_12] : memref<4096xi32, #tpu.memory_space<hbm>> -> memref<64xi32, #tpu.memory_space<hbm>>
    %dma_wait3A_46 = tpu.memref_slice %arg6[%add3A_12] : memref<4096xi32, #tpu.memory_space<hbm>> -> memref<64xi32, #tpu.memory_space<hbm>>
    tpu.wait_dma2 semaphore(%arg26 : memref<!tpu.dma_semaphore, #tpu.memory_space<semaphore_mem>>) src(%dma_wait3A_46 : memref<64xi32, #tpu.memory_space<hbm>>) dst(%arg14 : memref<64xi32, #tpu.memory_space<vmem>>)
    %dma_start3A_47 = arith.constant 0 : i32
    %dma_start3A_48 = arith.constant 0 : i32
    %dma_start3A_49 = tpu.memref_slice %arg3[%dma_start3A_47, %dma_start3A_48] : memref<4096x128xf32, #tpu.memory_space<hbm>> -> memref<4096x128xf32, #tpu.memory_space<hbm>>
    tpu.enqueue_indirect_dma source(%dma_start3A_49 : memref<4096x128xf32, #tpu.memory_space<hbm>>) target(%arg20 : memref<64x128xf32, #tpu.memory_space<vmem>>) offsets(%arg14 : memref<64xi32, #tpu.memory_space<vmem>>) semaphore(%arg26 : memref<!tpu.dma_semaphore, #tpu.memory_space<semaphore_mem>>)
    %dma_wait3A_50 = tpu.memref_slice %arg6[%add3A_14] : memref<4096xi32, #tpu.memory_space<hbm>> -> memref<64xi32, #tpu.memory_space<hbm>>
    %dma_wait3A_51 = tpu.memref_slice %arg6[%add3A_14] : memref<4096xi32, #tpu.memory_space<hbm>> -> memref<64xi32, #tpu.memory_space<hbm>>
    tpu.wait_dma2 semaphore(%arg27 : memref<!tpu.dma_semaphore, #tpu.memory_space<semaphore_mem>>) src(%dma_wait3A_51 : memref<64xi32, #tpu.memory_space<hbm>>) dst(%arg15 : memref<64xi32, #tpu.memory_space<vmem>>)
    %dma_start3A_52 = arith.constant 0 : i32
    %dma_start3A_53 = arith.constant 0 : i32
    %dma_start3A_54 = tpu.memref_slice %arg3[%dma_start3A_52, %dma_start3A_53] : memref<4096x128xf32, #tpu.memory_space<hbm>> -> memref<4096x128xf32, #tpu.memory_space<hbm>>
    tpu.enqueue_indirect_dma source(%dma_start3A_54 : memref<4096x128xf32, #tpu.memory_space<hbm>>) target(%arg21 : memref<64x128xf32, #tpu.memory_space<vmem>>) offsets(%arg15 : memref<64xi32, #tpu.memory_space<vmem>>) semaphore(%arg27 : memref<!tpu.dma_semaphore, #tpu.memory_space<semaphore_mem>>)
    %dma_wait3A_55 = arith.constant 0 : i32
    %dma_wait3A_56 = arith.constant 0 : i32
    %dma_wait3A_57 = tpu.memref_slice %arg2[%dma_wait3A_55, %dma_wait3A_56] : memref<4096x128xf32, #tpu.memory_space<hbm>> -> memref<4096x128xf32, #tpu.memory_space<hbm>>
    tpu.wait_indirect_dma semaphore(%arg22 : memref<!tpu.dma_semaphore, #tpu.memory_space<semaphore_mem>>) src(%dma_wait3A_57 : memref<4096x128xf32, #tpu.memory_space<hbm>>) dst(%arg16 : memref<64x128xf32, #tpu.memory_space<vmem>>)
    %dma_start3A_58 = arith.constant 0 : i32
    %dma_start3A_59 = tpu.memref_slice %arg7[%add3A_4, %dma_start3A_58] : memref<4096x128xf32, #tpu.memory_space<hbm>> -> memref<64x128xf32, #tpu.memory_space<hbm>>
    %dma_start3A_60 = arith.constant 0 : i32
    %dma_start3A_61 = tpu.memref_slice %arg7[%add3A_4, %dma_start3A_60] : memref<4096x128xf32, #tpu.memory_space<hbm>> -> memref<64x128xf32, #tpu.memory_space<hbm>>
    tpu.enqueue_dma source(%arg16 : memref<64x128xf32, #tpu.memory_space<vmem>>) target(%dma_start3A_61 : memref<64x128xf32, #tpu.memory_space<hbm>>) target_semaphore(%arg22 : memref<!tpu.dma_semaphore, #tpu.memory_space<semaphore_mem>>)
    %dma_wait3A_62 = arith.constant 0 : i32
    %dma_wait3A_63 = arith.constant 0 : i32
    %dma_wait3A_64 = tpu.memref_slice %arg2[%dma_wait3A_62, %dma_wait3A_63] : memref<4096x128xf32, #tpu.memory_space<hbm>> -> memref<4096x128xf32, #tpu.memory_space<hbm>>
    tpu.wait_indirect_dma semaphore(%arg23 : memref<!tpu.dma_semaphore, #tpu.memory_space<semaphore_mem>>) src(%dma_wait3A_64 : memref<4096x128xf32, #tpu.memory_space<hbm>>) dst(%arg17 : memref<64x128xf32, #tpu.memory_space<vmem>>)
    %dma_start3A_65 = arith.constant 0 : i32
    %dma_start3A_66 = tpu.memref_slice %arg7[%add3A_6, %dma_start3A_65] : memref<4096x128xf32, #tpu.memory_space<hbm>> -> memref<64x128xf32, #tpu.memory_space<hbm>>
    %dma_start3A_67 = arith.constant 0 : i32
    %dma_start3A_68 = tpu.memref_slice %arg7[%add3A_6, %dma_start3A_67] : memref<4096x128xf32, #tpu.memory_space<hbm>> -> memref<64x128xf32, #tpu.memory_space<hbm>>
    tpu.enqueue_dma source(%arg17 : memref<64x128xf32, #tpu.memory_space<vmem>>) target(%dma_start3A_68 : memref<64x128xf32, #tpu.memory_space<hbm>>) target_semaphore(%arg23 : memref<!tpu.dma_semaphore, #tpu.memory_space<semaphore_mem>>)
    %dma_wait3A_69 = arith.constant 0 : i32
    %dma_wait3A_70 = arith.constant 0 : i32
    %dma_wait3A_71 = tpu.memref_slice %arg3[%dma_wait3A_69, %dma_wait3A_70] : memref<4096x128xf32, #tpu.memory_space<hbm>> -> memref<4096x128xf32, #tpu.memory_space<hbm>>
    tpu.wait_indirect_dma semaphore(%arg24 : memref<!tpu.dma_semaphore, #tpu.memory_space<semaphore_mem>>) src(%dma_wait3A_71 : memref<4096x128xf32, #tpu.memory_space<hbm>>) dst(%arg18 : memref<64x128xf32, #tpu.memory_space<vmem>>)
    %dma_start3A_72 = arith.constant 0 : i32
    %dma_start3A_73 = tpu.memref_slice %arg8[%add3A_8, %dma_start3A_72] : memref<4096x128xf32, #tpu.memory_space<hbm>> -> memref<64x128xf32, #tpu.memory_space<hbm>>
    %dma_start3A_74 = arith.constant 0 : i32
    %dma_start3A_75 = tpu.memref_slice %arg8[%add3A_8, %dma_start3A_74] : memref<4096x128xf32, #tpu.memory_space<hbm>> -> memref<64x128xf32, #tpu.memory_space<hbm>>
    tpu.enqueue_dma source(%arg18 : memref<64x128xf32, #tpu.memory_space<vmem>>) target(%dma_start3A_75 : memref<64x128xf32, #tpu.memory_space<hbm>>) target_semaphore(%arg24 : memref<!tpu.dma_semaphore, #tpu.memory_space<semaphore_mem>>)
    %dma_wait3A_76 = arith.constant 0 : i32
    %dma_wait3A_77 = arith.constant 0 : i32
    %dma_wait3A_78 = tpu.memref_slice %arg3[%dma_wait3A_76, %dma_wait3A_77] : memref<4096x128xf32, #tpu.memory_space<hbm>> -> memref<4096x128xf32, #tpu.memory_space<hbm>>
    tpu.wait_indirect_dma semaphore(%arg25 : memref<!tpu.dma_semaphore, #tpu.memory_space<semaphore_mem>>) src(%dma_wait3A_78 : memref<4096x128xf32, #tpu.memory_space<hbm>>) dst(%arg19 : memref<64x128xf32, #tpu.memory_space<vmem>>)
    %dma_start3A_79 = arith.constant 0 : i32
    %dma_start3A_80 = tpu.memref_slice %arg8[%add3A_10, %dma_start3A_79] : memref<4096x128xf32, #tpu.memory_space<hbm>> -> memref<64x128xf32, #tpu.memory_space<hbm>>
    %dma_start3A_81 = arith.constant 0 : i32
    %dma_start3A_82 = tpu.memref_slice %arg8[%add3A_10, %dma_start3A_81] : memref<4096x128xf32, #tpu.memory_space<hbm>> -> memref<64x128xf32, #tpu.memory_space<hbm>>
    tpu.enqueue_dma source(%arg19 : memref<64x128xf32, #tpu.memory_space<vmem>>) target(%dma_start3A_82 : memref<64x128xf32, #tpu.memory_space<hbm>>) target_semaphore(%arg25 : memref<!tpu.dma_semaphore, #tpu.memory_space<semaphore_mem>>)
    %dma_wait3A_83 = arith.constant 0 : i32
    %dma_wait3A_84 = arith.constant 0 : i32
    %dma_wait3A_85 = tpu.memref_slice %arg3[%dma_wait3A_83, %dma_wait3A_84] : memref<4096x128xf32, #tpu.memory_space<hbm>> -> memref<4096x128xf32, #tpu.memory_space<hbm>>
    tpu.wait_indirect_dma semaphore(%arg26 : memref<!tpu.dma_semaphore, #tpu.memory_space<semaphore_mem>>) src(%dma_wait3A_85 : memref<4096x128xf32, #tpu.memory_space<hbm>>) dst(%arg20 : memref<64x128xf32, #tpu.memory_space<vmem>>)
    %dma_start3A_86 = arith.constant 0 : i32
    %dma_start3A_87 = tpu.memref_slice %arg9[%add3A_12, %dma_start3A_86] : memref<4096x128xf32, #tpu.memory_space<hbm>> -> memref<64x128xf32, #tpu.memory_space<hbm>>
    %dma_start3A_88 = arith.constant 0 : i32
    %dma_start3A_89 = tpu.memref_slice %arg9[%add3A_12, %dma_start3A_88] : memref<4096x128xf32, #tpu.memory_space<hbm>> -> memref<64x128xf32, #tpu.memory_space<hbm>>
    tpu.enqueue_dma source(%arg20 : memref<64x128xf32, #tpu.memory_space<vmem>>) target(%dma_start3A_89 : memref<64x128xf32, #tpu.memory_space<hbm>>) target_semaphore(%arg26 : memref<!tpu.dma_semaphore, #tpu.memory_space<semaphore_mem>>)
    %dma_wait3A_90 = arith.constant 0 : i32
    %dma_wait3A_91 = arith.constant 0 : i32
    %dma_wait3A_92 = tpu.memref_slice %arg3[%dma_wait3A_90, %dma_wait3A_91] : memref<4096x128xf32, #tpu.memory_space<hbm>> -> memref<4096x128xf32, #tpu.memory_space<hbm>>
    tpu.wait_indirect_dma semaphore(%arg27 : memref<!tpu.dma_semaphore, #tpu.memory_space<semaphore_mem>>) src(%dma_wait3A_92 : memref<4096x128xf32, #tpu.memory_space<hbm>>) dst(%arg21 : memref<64x128xf32, #tpu.memory_space<vmem>>)
    %dma_start3A_93 = arith.constant 0 : i32
    %dma_start3A_94 = tpu.memref_slice %arg9[%add3A_14, %dma_start3A_93] : memref<4096x128xf32, #tpu.memory_space<hbm>> -> memref<64x128xf32, #tpu.memory_space<hbm>>
    %dma_start3A_95 = arith.constant 0 : i32
    %dma_start3A_96 = tpu.memref_slice %arg9[%add3A_14, %dma_start3A_95] : memref<4096x128xf32, #tpu.memory_space<hbm>> -> memref<64x128xf32, #tpu.memory_space<hbm>>
    tpu.enqueue_dma source(%arg21 : memref<64x128xf32, #tpu.memory_space<vmem>>) target(%dma_start3A_96 : memref<64x128xf32, #tpu.memory_space<hbm>>) target_semaphore(%arg27 : memref<!tpu.dma_semaphore, #tpu.memory_space<semaphore_mem>>)
    %dma_wait3A_97 = arith.constant 0 : i32
    %dma_wait3A_98 = tpu.memref_slice %arg7[%add3A_4, %dma_wait3A_97] : memref<4096x128xf32, #tpu.memory_space<hbm>> -> memref<64x128xf32, #tpu.memory_space<hbm>>
    %dma_wait3A_99 = arith.constant 0 : i32
    %dma_wait3A_100 = tpu.memref_slice %arg7[%add3A_4, %dma_wait3A_99] : memref<4096x128xf32, #tpu.memory_space<hbm>> -> memref<64x128xf32, #tpu.memory_space<hbm>>
    tpu.wait_dma2 semaphore(%arg22 : memref<!tpu.dma_semaphore, #tpu.memory_space<semaphore_mem>>) src(%arg16 : memref<64x128xf32, #tpu.memory_space<vmem>>) dst(%dma_wait3A_100 : memref<64x128xf32, #tpu.memory_space<hbm>>)
    %dma_wait3A_101 = arith.constant 0 : i32
    %dma_wait3A_102 = tpu.memref_slice %arg7[%add3A_6, %dma_wait3A_101] : memref<4096x128xf32, #tpu.memory_space<hbm>> -> memref<64x128xf32, #tpu.memory_space<hbm>>
    %dma_wait3A_103 = arith.constant 0 : i32
    %dma_wait3A_104 = tpu.memref_slice %arg7[%add3A_6, %dma_wait3A_103] : memref<4096x128xf32, #tpu.memory_space<hbm>> -> memref<64x128xf32, #tpu.memory_space<hbm>>
    tpu.wait_dma2 semaphore(%arg23 : memref<!tpu.dma_semaphore, #tpu.memory_space<semaphore_mem>>) src(%arg17 : memref<64x128xf32, #tpu.memory_space<vmem>>) dst(%dma_wait3A_104 : memref<64x128xf32, #tpu.memory_space<hbm>>)
    %dma_wait3A_105 = arith.constant 0 : i32
    %dma_wait3A_106 = tpu.memref_slice %arg8[%add3A_8, %dma_wait3A_105] : memref<4096x128xf32, #tpu.memory_space<hbm>> -> memref<64x128xf32, #tpu.memory_space<hbm>>
    %dma_wait3A_107 = arith.constant 0 : i32
    %dma_wait3A_108 = tpu.memref_slice %arg8[%add3A_8, %dma_wait3A_107] : memref<4096x128xf32, #tpu.memory_space<hbm>> -> memref<64x128xf32, #tpu.memory_space<hbm>>
    tpu.wait_dma2 semaphore(%arg24 : memref<!tpu.dma_semaphore, #tpu.memory_space<semaphore_mem>>) src(%arg18 : memref<64x128xf32, #tpu.memory_space<vmem>>) dst(%dma_wait3A_108 : memref<64x128xf32, #tpu.memory_space<hbm>>)
    %dma_wait3A_109 = arith.constant 0 : i32
    %dma_wait3A_110 = tpu.memref_slice %arg8[%add3A_10, %dma_wait3A_109] : memref<4096x128xf32, #tpu.memory_space<hbm>> -> memref<64x128xf32, #tpu.memory_space<hbm>>
    %dma_wait3A_111 = arith.constant 0 : i32
    %dma_wait3A_112 = tpu.memref_slice %arg8[%add3A_10, %dma_wait3A_111] : memref<4096x128xf32, #tpu.memory_space<hbm>> -> memref<64x128xf32, #tpu.memory_space<hbm>>
    tpu.wait_dma2 semaphore(%arg25 : memref<!tpu.dma_semaphore, #tpu.memory_space<semaphore_mem>>) src(%arg19 : memref<64x128xf32, #tpu.memory_space<vmem>>) dst(%dma_wait3A_112 : memref<64x128xf32, #tpu.memory_space<hbm>>)
    %dma_wait3A_113 = arith.constant 0 : i32
    %dma_wait3A_114 = tpu.memref_slice %arg9[%add3A_12, %dma_wait3A_113] : memref<4096x128xf32, #tpu.memory_space<hbm>> -> memref<64x128xf32, #tpu.memory_space<hbm>>
    %dma_wait3A_115 = arith.constant 0 : i32
    %dma_wait3A_116 = tpu.memref_slice %arg9[%add3A_12, %dma_wait3A_115] : memref<4096x128xf32, #tpu.memory_space<hbm>> -> memref<64x128xf32, #tpu.memory_space<hbm>>
    tpu.wait_dma2 semaphore(%arg26 : memref<!tpu.dma_semaphore, #tpu.memory_space<semaphore_mem>>) src(%arg20 : memref<64x128xf32, #tpu.memory_space<vmem>>) dst(%dma_wait3A_116 : memref<64x128xf32, #tpu.memory_space<hbm>>)
    %dma_wait3A_117 = arith.constant 0 : i32
    %dma_wait3A_118 = tpu.memref_slice %arg9[%add3A_14, %dma_wait3A_117] : memref<4096x128xf32, #tpu.memory_space<hbm>> -> memref<64x128xf32, #tpu.memory_space<hbm>>
    %dma_wait3A_119 = arith.constant 0 : i32
    %dma_wait3A_120 = tpu.memref_slice %arg9[%add3A_14, %dma_wait3A_119] : memref<4096x128xf32, #tpu.memory_space<hbm>> -> memref<64x128xf32, #tpu.memory_space<hbm>>
    tpu.wait_dma2 semaphore(%arg27 : memref<!tpu.dma_semaphore, #tpu.memory_space<semaphore_mem>>) src(%arg21 : memref<64x128xf32, #tpu.memory_space<vmem>>) dst(%dma_wait3A_120 : memref<64x128xf32, #tpu.memory_space<hbm>>)
    return
  }
}

module attributes {stable_mosaic.version = 14 : i64} {
  func.func @_prop_body(%arg0: i32, %arg1: memref<128x4096xf32, #tpu.memory_space<vmem>>, %arg2: memref<128x4096xf32, #tpu.memory_space<vmem>>, %arg3: memref<128x4096xf32, #tpu.memory_space<vmem>>, %arg4: memref<128x4096xf32, #tpu.memory_space<vmem>>, %arg5: memref<128x4096xf32, #tpu.memory_space<vmem>>, %arg6: memref<4096x128xf32, #tpu.memory_space<vmem>>, %arg7: memref<4096x128xf32, #tpu.memory_space<vmem>>, %arg8: memref<128x128xf32, #tpu.memory_space<vmem>>, %arg9: memref<128x128xf32, #tpu.memory_space<vmem>>, %arg10: memref<128x128xf32, #tpu.memory_space<vmem>>, %arg11: memref<128x128xf32, #tpu.memory_space<vmem>>) attributes {dimension_semantics = [#tpu.dimension_semantics<arbitrary>], iteration_bounds = array<i64: 32>, scalar_prefetch = 0 : i64, scratch_operands = 0 : i64, tpu.core_type = #tpu.core_type<tc>, window_params = [{transform_indices = @transform_0, window_bounds = array<i64: 128, 4096>}, {transform_indices = @transform_1, window_bounds = array<i64: 128, 4096>}, {transform_indices = @transform_2, window_bounds = array<i64: 128, 4096>}, {transform_indices = @transform_3, window_bounds = array<i64: 128, 4096>}, {transform_indices = @transform_4, window_bounds = array<i64: 128, 4096>}, {pipeline_mode = #tpu.pipeline_mode<synchronous>, transform_indices = @transform_5, window_bounds = array<i64: 4096, 128>}, {pipeline_mode = #tpu.pipeline_mode<synchronous>, transform_indices = @transform_6, window_bounds = array<i64: 4096, 128>}, {pipeline_mode = #tpu.pipeline_mode<synchronous>, transform_indices = @transform_7, window_bounds = array<i64: 128, 128>}, {pipeline_mode = #tpu.pipeline_mode<synchronous>, transform_indices = @transform_8, window_bounds = array<i64: 128, 128>}, {transform_indices = @transform_9, window_bounds = array<i64: 128, 128>}, {transform_indices = @transform_10, window_bounds = array<i64: 128, 128>}]} {
    %get3A = arith.constant 0 : index
    %get3A_0 = arith.constant 0 : index
    %get3A_1 = vector.load %arg6[%get3A, %get3A_0] : memref<4096x128xf32, #tpu.memory_space<vmem>>, vector<4096x128xf32>
    %get3A_2 = arith.constant 0 : index
    %get3A_3 = arith.constant 0 : index
    %get3A_4 = vector.load %arg7[%get3A_2, %get3A_3] : memref<4096x128xf32, #tpu.memory_space<vmem>>, vector<4096x128xf32>
    %get3A_5 = arith.constant 0 : index
    %get3A_6 = arith.constant 0 : index
    %get3A_7 = vector.load %arg1[%get3A_5, %get3A_6] : memref<128x4096xf32, #tpu.memory_space<vmem>>, vector<128x4096xf32>
    %dot_general3A = arith.constant dense<0.000000e+00> : vector<128x128xf32>
    %dot_general3A_8 = tpu.matmul %get3A_7, %get3A_1, %dot_general3A {dimension_numbers = #tpu.dot_dimension_numbers<[1], [0], [0], [1], [0, 0, 1, 1], [], []>, transpose_lhs_hint = false} : vector<128x4096xf32>, vector<4096x128xf32>, vector<128x128xf32> -> vector<128x128xf32>
    %get3A_9 = arith.constant 0 : index
    %get3A_10 = arith.constant 0 : index
    %get3A_11 = vector.load %arg2[%get3A_9, %get3A_10] : memref<128x4096xf32, #tpu.memory_space<vmem>>, vector<128x4096xf32>
    %dot_general3A_12 = arith.constant dense<0.000000e+00> : vector<128x128xf32>
    %dot_general3A_13 = tpu.matmul %get3A_11, %get3A_1, %dot_general3A_12 {dimension_numbers = #tpu.dot_dimension_numbers<[1], [0], [0], [1], [0, 0, 1, 1], [], []>, transpose_lhs_hint = false} : vector<128x4096xf32>, vector<4096x128xf32>, vector<128x128xf32> -> vector<128x128xf32>
    %get3A_14 = arith.constant 0 : index
    %get3A_15 = arith.constant 0 : index
    %get3A_16 = vector.load %arg3[%get3A_14, %get3A_15] : memref<128x4096xf32, #tpu.memory_space<vmem>>, vector<128x4096xf32>
    %dot_general3A_17 = arith.constant dense<0.000000e+00> : vector<128x128xf32>
    %dot_general3A_18 = tpu.matmul %get3A_16, %get3A_4, %dot_general3A_17 {dimension_numbers = #tpu.dot_dimension_numbers<[1], [0], [0], [1], [0, 0, 1, 1], [], []>, transpose_lhs_hint = false} : vector<128x4096xf32>, vector<4096x128xf32>, vector<128x128xf32> -> vector<128x128xf32>
    %add3A = arith.addf %dot_general3A_13, %dot_general3A_18 : vector<128x128xf32>
    %get3A_19 = arith.constant 0 : index
    %get3A_20 = arith.constant 0 : index
    %get3A_21 = vector.load %arg4[%get3A_19, %get3A_20] : memref<128x4096xf32, #tpu.memory_space<vmem>>, vector<128x4096xf32>
    %dot_general3A_22 = arith.constant dense<0.000000e+00> : vector<128x128xf32>
    %dot_general3A_23 = tpu.matmul %get3A_21, %get3A_1, %dot_general3A_22 {dimension_numbers = #tpu.dot_dimension_numbers<[1], [0], [0], [1], [0, 0, 1, 1], [], []>, transpose_lhs_hint = false} : vector<128x4096xf32>, vector<4096x128xf32>, vector<128x128xf32> -> vector<128x128xf32>
    %get3A_24 = arith.constant 0 : index
    %get3A_25 = arith.constant 0 : index
    %get3A_26 = vector.load %arg5[%get3A_24, %get3A_25] : memref<128x4096xf32, #tpu.memory_space<vmem>>, vector<128x4096xf32>
    %dot_general3A_27 = arith.constant dense<0.000000e+00> : vector<128x128xf32>
    %dot_general3A_28 = tpu.matmul %get3A_26, %get3A_4, %dot_general3A_27 {dimension_numbers = #tpu.dot_dimension_numbers<[1], [0], [0], [1], [0, 0, 1, 1], [], []>, transpose_lhs_hint = false} : vector<128x4096xf32>, vector<4096x128xf32>, vector<128x128xf32> -> vector<128x128xf32>
    %add3A_29 = arith.addf %dot_general3A_23, %dot_general3A_28 : vector<128x128xf32>
    %get3A_30 = arith.constant 0 : index
    %get3A_31 = arith.constant 0 : index
    %get3A_32 = vector.load %arg8[%get3A_30, %get3A_31] : memref<128x128xf32, #tpu.memory_space<vmem>>, vector<128x128xf32>
    %dot_general3A_33 = arith.constant dense<0.000000e+00> : vector<128x128xf32>
    %dot_general3A_34 = tpu.matmul %dot_general3A_8, %get3A_32, %dot_general3A_33 {dimension_numbers = #tpu.dot_dimension_numbers<[1], [0], [0], [1], [0, 0, 1, 1], [], []>, transpose_lhs_hint = false} : vector<128x128xf32>, vector<128x128xf32>, vector<128x128xf32> -> vector<128x128xf32>
    %tanh3A = math.tanh %dot_general3A_34 : vector<128x128xf32>
    %get3A_35 = arith.constant 0 : index
    %get3A_36 = arith.constant 0 : index
    %get3A_37 = vector.load %arg9[%get3A_35, %get3A_36] : memref<128x128xf32, #tpu.memory_space<vmem>>, vector<128x128xf32>
    %dot_general3A_38 = arith.constant dense<0.000000e+00> : vector<128x128xf32>
    %dot_general3A_39 = tpu.matmul %add3A, %get3A_37, %dot_general3A_38 {dimension_numbers = #tpu.dot_dimension_numbers<[1], [0], [0], [1], [0, 0, 1, 1], [], []>, transpose_lhs_hint = false} : vector<128x128xf32>, vector<128x128xf32>, vector<128x128xf32> -> vector<128x128xf32>
    %tanh3A_40 = math.tanh %dot_general3A_39 : vector<128x128xf32>
    %get3A_41 = arith.constant 0 : index
    %get3A_42 = arith.constant 0 : index
    %get3A_43 = vector.load %arg9[%get3A_41, %get3A_42] : memref<128x128xf32, #tpu.memory_space<vmem>>, vector<128x128xf32>
    %dot_general3A_44 = arith.constant dense<0.000000e+00> : vector<128x128xf32>
    %dot_general3A_45 = tpu.matmul %add3A_29, %get3A_43, %dot_general3A_44 {dimension_numbers = #tpu.dot_dimension_numbers<[1], [0], [0], [1], [0, 0, 1, 1], [], []>, transpose_lhs_hint = false} : vector<128x128xf32>, vector<128x128xf32>, vector<128x128xf32> -> vector<128x128xf32>
    %tanh3A_46 = math.tanh %dot_general3A_45 : vector<128x128xf32>
    %mul3A = arith.constant 128 : i32
    %mul3A_47 = arith.muli %arg0, %mul3A : i32
    %get3A_48 = arith.index_cast %mul3A_47 : i32 to index
    %get3A_49 = arith.constant 0 : index
    %get3A_50 = vector.load %arg6[%get3A_48, %get3A_49] : memref<4096x128xf32, #tpu.memory_space<vmem>>, vector<128x128xf32>
    %mul3A_51 = arith.constant 128 : i32
    %mul3A_52 = arith.muli %arg0, %mul3A_51 : i32
    %get3A_53 = arith.index_cast %mul3A_52 : i32 to index
    %get3A_54 = arith.constant 0 : index
    %get3A_55 = vector.load %arg7[%get3A_53, %get3A_54] : memref<4096x128xf32, #tpu.memory_space<vmem>>, vector<128x128xf32>
    %mul3A_56 = arith.constant 7.500000e-01 : f32
    %mul3A_57 = vector.broadcast %mul3A_56 : f32 to vector<128x128xf32>
    %mul3A_58 = arith.mulf %mul3A_57, %get3A_50 : vector<128x128xf32>
    %mul3A_59 = arith.constant 5.000000e-01 : f32
    %mul3A_60 = vector.broadcast %mul3A_59 : f32 to vector<128x128xf32>
    %mul3A_61 = arith.mulf %mul3A_60, %tanh3A : vector<128x128xf32>
    %add3A_62 = arith.addf %mul3A_58, %mul3A_61 : vector<128x128xf32>
    %mul3A_63 = arith.constant 2.500000e-01 : f32
    %mul3A_64 = vector.broadcast %mul3A_63 : f32 to vector<128x128xf32>
    %mul3A_65 = arith.mulf %mul3A_64, %tanh3A_40 : vector<128x128xf32>
    %add3A_66 = arith.addf %add3A_62, %mul3A_65 : vector<128x128xf32>
    %swap3A = arith.constant 0 : index
    %swap3A_67 = arith.constant 0 : index
    %swap3A_68 = vector.load %arg10[%swap3A, %swap3A_67] : memref<128x128xf32, #tpu.memory_space<vmem>>, vector<128x128xf32>
    tpu.vector_store %arg10[%swap3A, %swap3A_67], %add3A_66 {strides = array<i32>} : memref<128x128xf32, #tpu.memory_space<vmem>>, vector<128x128xf32>,
    %mul3A_69 = arith.constant 5.000000e-01 : f32
    %mul3A_70 = vector.broadcast %mul3A_69 : f32 to vector<128x128xf32>
    %mul3A_71 = arith.mulf %mul3A_70, %get3A_55 : vector<128x128xf32>
    %mul3A_72 = arith.constant 5.000000e-01 : f32
    %mul3A_73 = vector.broadcast %mul3A_72 : f32 to vector<128x128xf32>
    %mul3A_74 = arith.mulf %mul3A_73, %tanh3A_46 : vector<128x128xf32>
    %add3A_75 = arith.addf %mul3A_71, %mul3A_74 : vector<128x128xf32>
    %swap3A_76 = arith.constant 0 : index
    %swap3A_77 = arith.constant 0 : index
    %swap3A_78 = vector.load %arg11[%swap3A_76, %swap3A_77] : memref<128x128xf32, #tpu.memory_space<vmem>>, vector<128x128xf32>
    tpu.vector_store %arg11[%swap3A_76, %swap3A_77], %add3A_75 {strides = array<i32>} : memref<128x128xf32, #tpu.memory_space<vmem>>, vector<128x128xf32>,
    return
  }
  func.func @transform_0(%arg0: i32) -> (i32, i32) {
    %c0_i32 = arith.constant 0 : i32
    %c0_i32_0 = arith.constant 0 : i32
    return %arg0, %c0_i32 : i32, i32
  }
  func.func @transform_1(%arg0: i32) -> (i32, i32) {
    %c0_i32 = arith.constant 0 : i32
    %c0_i32_0 = arith.constant 0 : i32
    return %arg0, %c0_i32 : i32, i32
  }
  func.func @transform_2(%arg0: i32) -> (i32, i32) {
    %c1_i32 = arith.constant 1 : i32
    %c0_i32 = arith.constant 0 : i32
    return %arg0, %c1_i32 : i32, i32
  }
  func.func @transform_3(%arg0: i32) -> (i32, i32) {
    %add3A = arith.constant 32 : i32
    %add3A_0 = arith.addi %arg0, %add3A : i32
    %c0_i32 = arith.constant 0 : i32
    %c0_i32_1 = arith.constant 0 : i32
    return %add3A_0, %c0_i32 : i32, i32
  }
  func.func @transform_4(%arg0: i32) -> (i32, i32) {
    %add3A = arith.constant 32 : i32
    %add3A_0 = arith.addi %arg0, %add3A : i32
    %c1_i32 = arith.constant 1 : i32
    %c0_i32 = arith.constant 0 : i32
    return %add3A_0, %c1_i32 : i32, i32
  }
  func.func @transform_5(%arg0: i32) -> (i32, i32) {
    %c0_i32 = arith.constant 0 : i32
    %c0_i32_0 = arith.constant 0 : i32
    %c0_i32_1 = arith.constant 0 : i32
    return %c0_i32, %c0_i32_0 : i32, i32
  }
  func.func @transform_6(%arg0: i32) -> (i32, i32) {
    %c0_i32 = arith.constant 0 : i32
    %c0_i32_0 = arith.constant 0 : i32
    %c0_i32_1 = arith.constant 0 : i32
    return %c0_i32, %c0_i32_0 : i32, i32
  }
  func.func @transform_7(%arg0: i32) -> (i32, i32) {
    %c0_i32 = arith.constant 0 : i32
    %c0_i32_0 = arith.constant 0 : i32
    %c0_i32_1 = arith.constant 0 : i32
    return %c0_i32, %c0_i32_0 : i32, i32
  }
  func.func @transform_8(%arg0: i32) -> (i32, i32) {
    %c0_i32 = arith.constant 0 : i32
    %c0_i32_0 = arith.constant 0 : i32
    %c0_i32_1 = arith.constant 0 : i32
    return %c0_i32, %c0_i32_0 : i32, i32
  }
  func.func @transform_9(%arg0: i32) -> (i32, i32) {
    %c0_i32 = arith.constant 0 : i32
    %c0_i32_0 = arith.constant 0 : i32
    return %arg0, %c0_i32 : i32, i32
  }
  func.func @transform_10(%arg0: i32) -> (i32, i32) {
    %c0_i32 = arith.constant 0 : i32
    %c0_i32_0 = arith.constant 0 : i32
    return %arg0, %c0_i32 : i32, i32
  }
}

</mosaic_0001>

<sc_bundles>
// kernel: kernel.4.cloned.1.call-start
scs
__scs_entry_jumppad:
0x0: {  	(pc) =	sbr.rel $0x88, $3  }
0x1: {  	(tag) =	ssettag $0x0;
	lr =	simm.s32 $0x1  }
0x2: {  	[smem:$0x3F98] =	sst lr;
	_ =	strace $0xD0000000  }
0x3: {  	_ = 	snop  }
0x4: {  	_ = 	snop  }
0x5: {  	_ = 	snop  }
0x6: {  	_ = 	snop  }
0x7: {  	_ = 	snop  }
__scs_overlays_trampoline_lowered:
0x8: {  	[smem:$0x3FA7] =	sst s0  }
0x9: {  	[smem:$0x3FA8] =	sst s1  }
0xa: {  	[smem:$0x3FA9] =	sst s2  }
0xb: {  	[smem:$0x3FAA] =	sst s3  }
0xc: {  	[smem:$0x3FAB] =	sst s4  }
0xd: {  	[smem:$0x3FAC] =	sst s5  }
0xe: {  	[smem:$0x3FAD] =	sst s6  }
0xf: {  	[smem:$0x3FAE] =	sst s7  }
0x10: {  	[smem:$0x3FAF] =	sst s8  }
0x11: {  	[smem:$0x3FB0] =	sst s9;
	s0 =	simm.s32 @!p0 $0x0  }
0x12: {  	s1 =	sld [smem:$0x3F96];
	s0 =	simm.s32 @p0 $0x1  }
0x13: {  	[smem:$0x3FB1] =	sst s0;
	s0 =	simm.s32 @!p1 $0x0  }
0x14: {  	s2 =	sld [smem:$0x3F95];
	s0 =	simm.s32 @p1 $0x1  }
0x15: {  	[smem:$0x3FB2] =	sst s0;
	s0 =	simm.s32 @!p2 $0x0  }
0x16: {  	s3 =	sld [smem:$0x3FDB];
	s0 =	simm.s32 @p2 $0x1  }
0x17: {  	s4 =	simm.s32 $0x1BF5;
	[smem:$0x3FB4] =	sst s0  }
0x18: {  	s0 =	sld [smem:$0x3F97];
	_ =	swait.ge [sflag:s4], $0x0  }
0x19: {  	s7 =	sld [smem:$0x3F98]  }
0x1a: {  	s8 =	sadd.s32 $0xFFFFE003, lr  }
0x1b: {  	s9 =	sadd.s32 $0xFFFFFEF7, lr;
	s5 =	simm.s32 $0xFFFFFFFF;
	p2 =	slt.u32 s8, $0xFFFFF086  }
0x1c: {  	p1 =	slt.u32 s9, $0xF7A;
	s5 =	simm.s32 @!p2 $0x0  }
0x1d: {  	s5 =	simm.s32 @p1 $0x1;
	p0 =	seq.s32 s7, s2  }
0x1e: {  	s7 =	smul.u32 @!p0 $0xF7A, s2;
	p2 =	seq.s32 @!p0 s5, $0x0  }
0x1f: {  	s9 =	smul.u32 $0xF7A, s1;
	s8 =	simm.s32 @!p0 $0x1BF5;
	p2 =	por !p2, p0  }
0x20: {  	[sflag:s8] =	ssyncset.s32 @!p0 $0xFFFFF086;
	s6 =	sadd.s32 @!p0 s3, s7;
	s7 =	simm.s32 @!p0 $0x108  }
0x21: {  	s3 =	sadd.s32 s3, s9;
	s6 =	sadd.s32 @!p0 $0x88, s6;
	s7 =	simm.s32 @p2 $0x1082  }
0x22: {  	[simem:s7], [sflag:s8] =	dma.local @!p0 [hbm:s6], $0xF7A  }
0x23: {  	s9 =	sor.u32 $0xD0000000, s2;
	s6 =	simm.s32 $0x108;
	_ =	swait.ge @!p0 [sflag:s8], $0x0  }
0x24: {  	s3 =	sadd.s32 $0x88, s3;
	s6 =	simm.s32 @!p1 $0x1082;
	[sflag:s4] =	ssyncset.s32 $0xFFFFF086  }
0x25: {  	[simem:s6], [sflag:s4] =	dma.local [hbm:s3], $0xF7A  }
0x26: {  	[smem:$0x3F98] =	sst s1;
	(tag) =	ssettag s2;
	_ =	strace s9  }
0x27: {  	s1 =	sld [smem:$0x3FA8]  }
0x28: {  	s2 =	sld [smem:$0x3FA9]  }
0x29: {  	s4 =	sld [smem:$0x3FAB]  }
0x2a: {  	p0 =	seq.s32 s5, $0x0;
	s5 =	sld [smem:$0x3FAC]  }
0x2b: {  	s6 =	sld [smem:$0x3FAD]  }
0x2c: {  	s7 =	sld [smem:$0x3FAE]  }
0x2d: {  	s3 =	simm.s32 $0x108;
	s8 =	sld [smem:$0x3FAF]  }
0x2e: {  	s3 =	simm.s32 @!p0 $0x1082;
	s9 =	sld [smem:$0x3FB0]  }
0x2f: {  	lr =	sadd.s32 s0, s3;
	s0 =	sld [smem:$0x3FA7]  }
0x30: {  	s3 =	sld [smem:$0x3FAA]  }
0x31: {  	[smem:$0x3FB3] =	sst s10  }
0x32: {  	s10 =	sld [smem:$0x3FB1];
	_ =	sdelay $0x3  }
0x33: {  	p0 =	seq.s32 s10, $0x1;
	s10 =	sld [smem:$0x3FB3];
	_ =	sdelay $0x3  }
0x34: {  	[smem:$0x3FB3] =	sst s10  }
0x35: {  	s10 =	sld [smem:$0x3FB2];
	_ =	sdelay $0x3  }
0x36: {  	p1 =	seq.s32 s10, $0x1;
	s10 =	sld [smem:$0x3FB3];
	_ =	sdelay $0x3  }
0x37: {  	[smem:$0x3FB3] =	sst s10  }
0x38: {  	s10 =	sld [smem:$0x3FB4]  }
0x39: {  	_ = 	snop;
	(pc) =	sbr.ind lr, $3  }
0x3a: {  	_ = 	snop  }
0x3b: {  	_ = 	snop  }
0x3c: {  	p2 =	seq.s32 s10, $0x1;
	s10 =	sld [smem:$0x3FB3]  }
0x3d: {  	_ =	shalt  }
0x3e: {  	_ =	shalt  }
0x3f: {  	_ =	shalt  }
0x40: {  	_ =	shalt  }
0x41: {  	_ =	shalt  }
0x42: {  	_ =	shalt  }
0x43: {  	_ =	shalt  }
0x44: {  	_ =	shalt  }
0x45: {  	_ =	shalt  }
0x46: {  	_ =	shalt  }
0x47: {  	_ =	shalt  }
0x48: {  	_ =	shalt  }
0x49: {  	_ =	shalt  }
0x4a: {  	_ =	shalt  }
0x4b: {  	_ =	shalt  }
0x4c: {  	_ =	shalt  }
0x4d: {  	_ =	shalt  }
0x4e: {  	_ =	shalt  }
0x4f: {  	_ =	shalt  }
0x50: {  	_ =	shalt  }
0x51: {  	_ =	shalt  }
0x52: {  	_ =	shalt  }
0x53: {  	_ =	shalt  }
0x54: {  	_ =	shalt  }
0x55: {  	_ =	shalt  }
0x56: {  	_ =	shalt  }
0x57: {  	_ =	shalt  }
0x58: {  	_ =	shalt  }
0x59: {  	_ =	shalt  }
0x5a: {  	_ =	shalt  }
0x5b: {  	_ =	shalt  }
0x5c: {  	_ =	shalt  }
0x5d: {  	_ =	shalt  }
0x5e: {  	_ =	shalt  }
0x5f: {  	_ =	shalt  }
0x60: {  	_ =	shalt  }
0x61: {  	_ =	shalt  }
0x62: {  	_ =	shalt  }
0x63: {  	_ =	shalt  }
0x64: {  	_ =	shalt  }
0x65: {  	_ =	shalt  }
0x66: {  	_ =	shalt  }
0x67: {  	_ =	shalt  }
0x68: {  	_ =	shalt  }
0x69: {  	_ =	shalt  }
0x6a: {  	_ =	shalt  }
0x6b: {  	_ =	shalt  }
0x6c: {  	_ =	shalt  }
0x6d: {  	_ =	shalt  }
0x6e: {  	_ =	shalt  }
0x6f: {  	_ =	shalt  }
0x70: {  	_ =	shalt  }
0x71: {  	_ =	shalt  }
0x72: {  	_ =	shalt  }
0x73: {  	_ =	shalt  }
0x74: {  	_ =	shalt  }
0x75: {  	_ =	shalt  }
0x76: {  	_ =	shalt  }
0x77: {  	_ =	shalt  }
0x78: {  	_ =	shalt  }
0x79: {  	_ =	shalt  }
0x7a: {  	_ =	shalt  }
0x7b: {  	_ =	shalt  }
0x7c: {  	_ =	shalt  }
0x7d: {  	_ =	shalt  }
0x7e: {  	_ =	shalt  }
0x7f: {  	_ =	shalt  }
0x80: {  	_ =	shalt  }
0x81: {  	_ =	shalt  }
0x82: {  	_ =	shalt  }
0x83: {  	_ =	shalt  }
0x84: {  	_ =	shalt  }
0x85: {  	_ =	shalt  }
0x86: {  	_ =	shalt  }
0x87: {  	_ =	shalt  }
.Lfunc_end0:
.L_simem_size_0:
called_computation_lowered:
.L_overlay_start_0:
0x88: {  	s2 =	sld [smem:$0x3FD9]  }
0x89: {  	s3 =	sld [smem:$0x3FFE];
	_ =	sdelay $0x1  }
0x8a: {  	s1 =	srdreg.scid  }
0x8b: {  	s0 =	sand.u32 $0x1, s1  }
0x8c: {  	s14 =	sshll.u32 s0, $0xA;
	s2 =	sadd.s32 s3, s2  }
0x8d: {  	s2 =	sadd.s32 s2, s14  }
0x8e: {  	[smem:$0x3FBF] =	sst s2  }
0x8f: {  	_ = 	snop  }
0x90: {  	s2 =	sld [smem:$0x3FD0]  }
0x91: {  	s15 =	sld [smem:$0x3FC9]  }
0x92: {  	s4 =	sld [smem:$0x3FC8]  }
0x93: {  	s6 =	simm.s32 $0xA;
	s7 =	simm.s32 $0x10;
	s5 =	sld [smem:$0x3FC7]  }
0x94: {  	[smem:s7], [sflag:s6] =	dma.local [hbm:s2], $0x1  }
0x95: {  	_ =	swait.eq [sflag:s6], $0x1  }
0x96: {  	s16 =	sld [smem:$0x10];
	[sflag:s6] =	ssyncset.done $0x0  }
0x97: {  	s17 =	sld [smem:$0x11];
	[sflag:s6] =	ssyncadd.s32 $0xFFFFFFFF  }
0x98: {  	s18 =	sld [smem:$0x12];
	(tm) =	ssettm $0x1  }
0x99: {  	s8 =	sld [smem:$0x3FFB];
	_ =	sdelay $0x3  }
0x9a: {  	_ =	strace s8  }
0x9b: {  	s8 =	sld [smem:$0x3FFC];
	_ =	sdelay $0x3  }
0x9c: {  	_ =	strace s8  }
0x9d: {  	s8 =	sld [smem:$0x3FFD];
	_ =	sdelay $0x3  }
0x9e: {  	_ =	strace s8  }
0x9f: {  	_ =	strace $0x8FFFFFFF  }
0xa0: {  	s19 =	sld [smem:$0x3FDB];
	_ =	sdelay $0x1  }
0xa1: {  	s9 =	simm.s32 $_scs_section_size  }
0xa2: {  	s10 =	simm.s32 $_size__tile_overlayer_lowered;
	s11 =	simm.s32 $_tile_overlayer_lowered  }
0xa3: {  	s22 =	simm.s32 $0x1BFF;
	s21 =	sshll.u32 s11, $0x1;
	s8 =	sadd.s32 s9, s19  }
0xa4: {  	s12 =	simm.s32 $0x0;
	s20 =	sshll.u32 s10, $0x1;
	s10 =	sadd.s32 s21, s8  }
0xa5: {  	[timem:s12], [sflag:s22] =	dma.local [hbm:s10], s20  }
0xa6: {  	_ =	swait.ge [sflag:s22], s20  }
0xa7: {  	s9 =	ssub.s32 $0x0, s20;
	[sflag:s22] =	ssyncset.done $0x0  }
0xa8: {  	[sflag:s22] =	ssyncadd.s32 s9;
	_ =	sdelay $0x1  }
0xa9: {  	s23 =	simm.s32 $0x1B8B  }
0xaa: {  	_ =	swait.ge [sflag:s23], $0x1  }
0xab: {  	[sflag:s23] =	ssyncset.done $0x0  }
0xac: {  	s25 =	simm.s32 $0x1B8E;
	s24 =	sld [smem:$0x3FFE];
	[sflag:s23] =	ssyncadd.s32 $0xFFFFFFFF  }
0xad: {  	s26 =	simm.s32 $execute0_lowered;
	[smem:$0x3FD2] =	sst s25  }
0xae: {  	s10 =	sshll.u32 s26, $0x1;
	_ =	strace $0x80000046;
	[dreg:$0x1] =	wrdreg $0xFFFFFFFF  }
0xaf: {  	s28 =	simm.s32 $_size_execute0_lowered;
	s8 =	sadd.s32 s8, s10;
	[dreg:$0x0] =	wrdreg $0x0  }
0xb0: {  	s10 =	sshll.u32 s28, $0x1;
	[dreg:$0x2] =	wrdreg s8  }
0xb1: {  	[dreg:$0x3] =	wrdreg s10  }
0xb2: {  	[dreg:$0x4] =	wrdreg $0xC0  }
0xb3: {  	_ =	task [dreg:s12], $0x5FFFF  }
0xb4: {  	[dreg:$0x1] =	wrdreg $0xFFFFFFFF  }
0xb5: {  	[dreg:$0x0] =	wrdreg $0x60  }
0xb6: {  	[dreg:$0x2] =	wrdreg s24  }
0xb7: {  	[dreg:$0x3] =	wrdreg s15  }
0xb8: {  	[dreg:$0x4] =	wrdreg s4  }
0xb9: {  	[dreg:$0x5] =	wrdreg s5  }
0xba: {  	[dreg:$0x6] =	wrdreg s16  }
0xbb: {  	[dreg:$0x7] =	wrdreg s17  }
0xbc: {  	[dreg:$0x8] =	wrdreg s18  }
0xbd: {  	[dreg:$0x9] =	wrdreg $0x9  }
0xbe: {  	_ =	task.clear_ibuf [dreg:s12], $0xAFFFF;
	_ =	strace $0x90000046  }
0xbf: {  	s29 =	simm.s32 $0x9;
	_ =	strace $0x80000048  }
0xc0: {  	_ =	swait.ge [sflag:s29], $0x1  }
0xc1: {  	[sflag:s29] =	ssyncadd.s32 $0xFFFFFFFF  }
0xc2: {  	_ =	strace $0x90000048  }
0xc3: {  	_ =	sfence  }
0xc4: {  	s30 =	sld [smem:$0x0];
	_ =	sdelay $0x2  }
0xc5: {  	s31 =	sshll.u32 s1, $0xD;
	s1 =	sshrl.u32 s1, $0x2  }
0xc6: {  	s3 =	sand.u32 $0x4000, s31;
	s1 =	sadd.s32 s1, s30  }
0xc7: {  	s0 =	sor.u32 s3, s0;
	s1 =	sshll.u32 s1, $0x11  }
0xc8: {  	s0 =	sor.u32 s1, s0  }
0xc9: {  	s0 =	sadd.s32 $0x8F2B, s0  }
0xca: {  	[sflag:s0] =	ssyncadd.remote.s32 $0x1  }
0xcb: {  	_ =	sfence.sel $0xFFFF  }
0xcc: {  	[dreg:$0x0] =	wrdreg $0xFFFFFFFF;
	(pc) =	sbr.abs _section_cstart, $3  }
0xcd: {  	[dreg:$0x1] =	wrdreg $0xFFFFFFFF  }
0xce: {  	_ =	task.clear_ibuf [dreg:s12], $0x2FFFF;
	_ =	strace $0x9FFFFFFF  }
0xcf: {  	(tm) =	ssettm $0x7FFFFFFF  }
tec
execute0_lowered:
.L_overlay_start_1:
0x0: {  	(tag) =	ssettag $0x1  }
0x1: {  	s17 =	rddreg [dreg:$0x0]  }
0x2: {  	s3 =	rddreg [dreg:$0x1]  }
0x3: {  	s4 =	rddreg [dreg:$0x2]  }
0x4: {  	s8 =	rddreg [dreg:$0x3];
	s1 =	srdreg.scid  }
0x5: {  	s26 =	rddreg [dreg:$0x4];
	s0 =	stileid.u32;
	s1 =	sand.u32 $0x1, s1  }
0x6: {  	s29 =	rddreg [dreg:$0x5];
	s5 =	sshll.u32 s0, $0x8;
	s6 =	sshll.u32 s1, $0x7  }
0x7: {  	s31 =	rddreg [dreg:$0x6];
	s2 =	simm.s32 $0x0;
	s25 =	sor.u32 s6, s5  }
0x8: {  	[smem:$0x7FF] =	sst s2;
	s6 =	sshrl.u32 s25, $0x3  }
0x9: {  	_ =	strace $0x80000047;
	s28 =	sor.u32 $0x40, s25;
	s16 =	sadd.s32 s3, s6  }
0xa: {  	s9 =	sshrl.u32 s28, $0x3;
	s18 =	sadd.s32 s4, s6;
	[dreg:$0x8] =	wrdreg s16  }
0xb: {  	s3 =	sadd.s32 s3, s9;
	[dreg:$0xa] =	wrdreg s18  }
0xc: {  	[dreg:$0x9] =	wrdreg s3  }
0xd: {  	s19 =	sadd.s32 s4, s9;
	s20 =	rddreg [dreg:$0x8]  }
0xe: {  	[dreg:$0xb] =	wrdreg s19  }
0xf: {  	[tilespmem:s2], [sflag:$0x1] =	stream.linear.gather [hbm4b:s20+s2], $0x40, $0x38;
	[tilespmem:$0xC300] =	vst v63  }
0x10: {  	s22 =	simm.s32 $0x80;
	s21 =	rddreg [dreg:$0x9]  }
0x11: {  	[tilespmem:s22], [sflag:$0x2] =	stream.linear.gather [hbm4b:s21+s2], $0x40, $0x38;
	[tilespmem:$0xC300] =	vst v63  }
0x12: {  	s23 =	simm.s32 $0x100;
	s7 =	rddreg [dreg:$0xa]  }
0x13: {  	[tilespmem:s23], [sflag:$0x3] =	stream.linear.gather [hbm4b:s7+s2], $0x40, $0x38;
	[tilespmem:$0xC300] =	vst v63  }
0x14: {  	s24 =	simm.s32 $0x180;
	s10 =	rddreg [dreg:$0xb]  }
0x15: {  	[tilespmem:s24], [sflag:$0x4] =	stream.linear.gather [hbm4b:s10+s2], $0x40, $0x38;
	[tilespmem:$0xC300] =	vst v63  }
0x16: {  	s6 =	sadd.s32 s8, s6;
	s7 =	simm.s32 $0x200  }
0x17: {  	[tilespmem:s7], [sflag:$0x5] =	stream.linear.gather [hbm4b:s6+s2], $0x40, $0x38;
	[tilespmem:$0xC300] =	vst v63  }
0x18: {  	s8 =	sadd.s32 s8, s9;
	s9 =	simm.s32 $0x280;
	s10 =	simm.s32 $0x1  }
0x19: {  	[tilespmem:s9], [sflag:$0x6] =	stream.linear.gather [hbm4b:s8+s2], $0x40, $0x38;
	[tilespmem:$0xC300] =	vst v63  }
0x1a: {  	_ =	swait.ge [sflag:s10], $0x40  }
0x1b: {  	s12 =	simm.s32 $0x40;
	s13 =	simm.s32 $0x300;
	[sflag:s10] =	ssyncset.done $0x0  }
0x1c: {  	s14 =	simm.s32 $0x2;
	s11 =	sadd.s32 $0x800, s17;
	[sflag:s10] =	ssyncadd.s32 $0xFFFFFFC0  }
0x1d: {  	[tilespmem:s13], [sflag:$0x1] =	stream.indirect.gather [hbm4b:s11+s12], $0x80, s2, s12, $0xb8;
	[tilespmem:$0xC300] =	vst v63  }
0x1e: {  	_ =	swait.ge [sflag:s14], $0x40  }
0x1f: {  	[sflag:s14] =	ssyncset.done $0x0  }
0x20: {  	s15 =	simm.s32 $0x2300;
	s16 =	simm.s32 $0x3;
	[sflag:s14] =	ssyncadd.s32 $0xFFFFFFC0  }
0x21: {  	[tilespmem:s15], [sflag:$0x2] =	stream.indirect.gather [hbm4b:s11+s12], $0x80, s22, s12, $0xb8;
	[tilespmem:$0xC300] =	vst v63  }
0x22: {  	_ =	swait.ge [sflag:s16], $0x40  }
0x23: {  	s17 =	sadd.s32 $0x10800, s17;
	[sflag:s16] =	ssyncset.done $0x0  }
0x24: {  	s18 =	simm.s32 $0x4300;
	s19 =	simm.s32 $0x4;
	[sflag:s16] =	ssyncadd.s32 $0xFFFFFFC0  }
0x25: {  	[tilespmem:s18], [sflag:$0x3] =	stream.indirect.gather [hbm4b:s17+s12], $0x80, s23, s12, $0xb8;
	[tilespmem:$0xC300] =	vst v63  }
0x26: {  	_ =	swait.ge [sflag:s19], $0x40  }
0x27: {  	[sflag:s19] =	ssyncset.done $0x0  }
0x28: {  	s20 =	simm.s32 $0x6300;
	s21 =	simm.s32 $0x5;
	[sflag:s19] =	ssyncadd.s32 $0xFFFFFFC0  }
0x29: {  	[tilespmem:s20], [sflag:$0x4] =	stream.indirect.gather [hbm4b:s17+s12], $0x80, s24, s12, $0xb8;
	[tilespmem:$0xC300] =	vst v63  }
0x2a: {  	_ =	swait.ge [sflag:s21], $0x40  }
0x2b: {  	[sflag:s21] =	ssyncset.done $0x0  }
0x2c: {  	s22 =	simm.s32 $0x6;
	s23 =	simm.s32 $0x8300;
	[sflag:s21] =	ssyncadd.s32 $0xFFFFFFC0  }
0x2d: {  	[tilespmem:s23], [sflag:$0x5] =	stream.indirect.gather [hbm4b:s17+s12], $0x80, s7, s12, $0xb8;
	[tilespmem:$0xC300] =	vst v63  }
0x2e: {  	_ =	swait.ge [sflag:s22], $0x40  }
0x2f: {  	[sflag:s22] =	ssyncset.done $0x0  }
0x30: {  	s24 =	simm.s32 $0xA300;
	[sflag:s22] =	ssyncadd.s32 $0xFFFFFFC0  }
0x31: {  	[tilespmem:s24], [sflag:$0x6] =	stream.indirect.gather [hbm4b:s17+s12], $0x80, s9, s12, $0xb8;
	[tilespmem:$0xC300] =	vst v63  }
0x32: {  	_ =	swait.ge [sflag:s10], $0x2000  }
0x33: {  	s30 =	sshll.u32 s25, $0x4;
	[sflag:s10] =	ssyncset.done $0x0  }
0x34: {  	s25 =	sadd.s32 s26, s30;
	[sflag:s10] =	ssyncadd.s32 $0xFFFFE000  }
0x35: {  	[hbm4b:s25+s2] =	stream.linear.scatter [tilespmem:s13], [sflag:$0x1], $0x2000, $0x38;
	[tilespmem:$0xC300] =	vst v63  }
0x36: {  	_ =	swait.ge [sflag:s14], $0x2000  }
0x37: {  	s4 =	sshll.u32 s28, $0x4;
	[sflag:s14] =	ssyncset.done $0x0  }
0x38: {  	s26 =	sadd.s32 s26, s4;
	[sflag:s14] =	ssyncadd.s32 $0xFFFFE000  }
0x39: {  	[hbm4b:s26+s2] =	stream.linear.scatter [tilespmem:s15], [sflag:$0x2], $0x2000, $0x38;
	[tilespmem:$0xC300] =	vst v63  }
0x3a: {  	_ =	swait.ge [sflag:s16], $0x2000  }
0x3b: {  	[sflag:s16] =	ssyncset.done $0x0  }
0x3c: {  	s28 =	sadd.s32 s29, s30;
	[sflag:s16] =	ssyncadd.s32 $0xFFFFE000  }
0x3d: {  	[hbm4b:s28+s2] =	stream.linear.scatter [tilespmem:s18], [sflag:$0x3], $0x2000, $0x38;
	[tilespmem:$0xC300] =	vst v63  }
0x3e: {  	_ =	swait.ge [sflag:s19], $0x2000  }
0x3f: {  	[sflag:s19] =	ssyncset.done $0x0  }
0x40: {  	s29 =	sadd.s32 s29, s4;
	[sflag:s19] =	ssyncadd.s32 $0xFFFFE000  }
0x41: {  	[hbm4b:s29+s2] =	stream.linear.scatter [tilespmem:s20], [sflag:$0x4], $0x2000, $0x38;
	[tilespmem:$0xC300] =	vst v63  }
0x42: {  	_ =	swait.ge [sflag:s21], $0x2000  }
0x43: {  	[sflag:s21] =	ssyncset.done $0x0  }
0x44: {  	s30 =	sadd.s32 s31, s30;
	[sflag:s21] =	ssyncadd.s32 $0xFFFFE000  }
0x45: {  	[hbm4b:s30+s2] =	stream.linear.scatter [tilespmem:s23], [sflag:$0x5], $0x2000, $0x38;
	[tilespmem:$0xC300] =	vst v63  }
0x46: {  	_ =	swait.ge [sflag:s22], $0x2000  }
0x47: {  	[sflag:s22] =	ssyncset.done $0x0  }
0x48: {  	s31 =	sadd.s32 s31, s4;
	[sflag:s22] =	ssyncadd.s32 $0xFFFFE000  }
0x49: {  	[hbm4b:s31+s2] =	stream.linear.scatter [tilespmem:s24], [sflag:$0x6], $0x2000, $0x38;
	[tilespmem:$0xC300] =	vst v63  }
0x4a: {  	_ =	swait.ge [sflag:s10], $0x2000  }
0x4b: {  	[sflag:s10] =	ssyncset.done $0x0  }
0x4c: {  	[sflag:s10] =	ssyncadd.s32 $0xFFFFE000  }
0x4d: {  	_ =	swait.ge [sflag:s14], $0x2000  }
0x4e: {  	[sflag:s14] =	ssyncset.done $0x0  }
0x4f: {  	[sflag:s14] =	ssyncadd.s32 $0xFFFFE000  }
0x50: {  	s5 =	ssub.s32 $0x2, s1;
	_ =	swait.ge [sflag:s16], $0x2000  }
0x51: {  	s1 =	sshrl.u32 s5, $0x1;
	[sflag:s16] =	ssyncset.done $0x0  }
0x52: {  	s0 =	ssub.s32 s5, s1;
	[sflag:s16] =	ssyncadd.s32 $0xFFFFE000  }
0x53: {  	s0 =	smax.u32 s0, $0x1;
	_ =	swait.ge [sflag:s19], $0x2000  }
0x54: {  	p0 =	sne.s32 s0, $0x1;
	[sflag:s19] =	ssyncset.done $0x0  }
.Ltmp0:
0x55: {  	[sflag:s19] =	ssyncadd.s32 $0xFFFFE000;
	(pc) =	sbr.rel @!p0 .LBB2_3-.Ltmp0, $4  }
0x56: {  	_ =	swait.ge [sflag:s21], $0x2000  }
0x57: {  	[sflag:s21] =	ssyncset.done $0x0  }
0x58: {  	[sflag:s21] =	ssyncadd.s32 $0xFFFFE000  }
0x59: {  	s1 =	sadd.s32 $0xFFFFFFFF, s0;
	_ =	swait.ge [sflag:s22], $0x2000  }
0x5a: {  	s4 =	simm.s32 $0x80;
	s5 =	simm.s32 $0x100  }
.LBB2_2:
0x5b: {  	[sflag:s22] =	ssyncset.done $0x0  }
0x5c: {  	s0 =	rddreg [dreg:$0x8];
	[sflag:s22] =	ssyncadd.s32 $0xFFFFE000  }
0x5d: {  	[tilespmem:s2], [sflag:$0x1] =	stream.linear.gather [hbm4b:s0+s2], $0x40, $0x38;
	[tilespmem:$0xC300] =	vst v63  }
0x5e: {  	s3 =	rddreg [dreg:$0x9]  }
0x5f: {  	[tilespmem:s4], [sflag:$0x2] =	stream.linear.gather [hbm4b:s3+s2], $0x40, $0x38;
	[tilespmem:$0xC300] =	vst v63  }
0x60: {  	s0 =	rddreg [dreg:$0xa]  }
0x61: {  	[tilespmem:s5], [sflag:$0x3] =	stream.linear.gather [hbm4b:s0+s2], $0x40, $0x38;
	[tilespmem:$0xC300] =	vst v63  }
0x62: {  	s3 =	rddreg [dreg:$0xb];
	s0 =	simm.s32 $0x180  }
0x63: {  	[tilespmem:s0], [sflag:$0x4] =	stream.linear.gather [hbm4b:s3+s2], $0x40, $0x38;
	[tilespmem:$0xC300] =	vst v63  }
0x64: {  	_ = 	snop  }
0x65: {  	[tilespmem:s7], [sflag:$0x5] =	stream.linear.gather [hbm4b:s6+s2], $0x40, $0x38;
	[tilespmem:$0xC300] =	vst v63  }
0x66: {  	_ = 	snop  }
0x67: {  	[tilespmem:s9], [sflag:$0x6] =	stream.linear.gather [hbm4b:s8+s2], $0x40, $0x38;
	[tilespmem:$0xC300] =	vst v63  }
0x68: {  	_ =	swait.ge [sflag:s10], $0x40  }
0x69: {  	[sflag:s10] =	ssyncset.done $0x0  }
0x6a: {  	[sflag:s10] =	ssyncadd.s32 $0xFFFFFFC0  }
0x6b: {  	[tilespmem:s13], [sflag:$0x1] =	stream.indirect.gather [hbm4b:s11+s12], $0x80, s2, s12, $0xb8;
	[tilespmem:$0xC300] =	vst v63  }
0x6c: {  	_ =	swait.ge [sflag:s14], $0x40  }
0x6d: {  	[sflag:s14] =	ssyncset.done $0x0  }
0x6e: {  	[sflag:s14] =	ssyncadd.s32 $0xFFFFFFC0  }
0x6f: {  	[tilespmem:s15], [sflag:$0x2] =	stream.indirect.gather [hbm4b:s11+s12], $0x80, s4, s12, $0xb8;
	[tilespmem:$0xC300] =	vst v63  }
0x70: {  	_ =	swait.ge [sflag:s16], $0x40  }
0x71: {  	[sflag:s16] =	ssyncset.done $0x0  }
0x72: {  	[sflag:s16] =	ssyncadd.s32 $0xFFFFFFC0  }
0x73: {  	[tilespmem:s18], [sflag:$0x3] =	stream.indirect.gather [hbm4b:s17+s12], $0x80, s5, s12, $0xb8;
	[tilespmem:$0xC300] =	vst v63  }
0x74: {  	_ =	swait.ge [sflag:s19], $0x40  }
0x75: {  	[sflag:s19] =	ssyncset.done $0x0  }
0x76: {  	[sflag:s19] =	ssyncadd.s32 $0xFFFFFFC0  }
0x77: {  	[tilespmem:s20], [sflag:$0x4] =	stream.indirect.gather [hbm4b:s17+s12], $0x80, s0, s12, $0xb8;
	[tilespmem:$0xC300] =	vst v63  }
0x78: {  	_ =	swait.ge [sflag:s21], $0x40  }
0x79: {  	[sflag:s21] =	ssyncset.done $0x0  }
0x7a: {  	[sflag:s21] =	ssyncadd.s32 $0xFFFFFFC0  }
0x7b: {  	[tilespmem:s23], [sflag:$0x5] =	stream.indirect.gather [hbm4b:s17+s12], $0x80, s7, s12, $0xb8;
	[tilespmem:$0xC300] =	vst v63  }
0x7c: {  	_ =	swait.ge [sflag:s22], $0x40  }
0x7d: {  	[sflag:s22] =	ssyncset.done $0x0  }
0x7e: {  	[sflag:s22] =	ssyncadd.s32 $0xFFFFFFC0  }
0x7f: {  	[tilespmem:s24], [sflag:$0x6] =	stream.indirect.gather [hbm4b:s17+s12], $0x80, s9, s12, $0xb8;
	[tilespmem:$0xC300] =	vst v63  }
0x80: {  	_ =	swait.ge [sflag:s10], $0x2000  }
0x81: {  	[sflag:s10] =	ssyncset.done $0x0  }
0x82: {  	[sflag:s10] =	ssyncadd.s32 $0xFFFFE000  }
0x83: {  	[hbm4b:s25+s2] =	stream.linear.scatter [tilespmem:s13], [sflag:$0x1], $0x2000, $0x38;
	[tilespmem:$0xC300] =	vst v63  }
0x84: {  	_ =	swait.ge [sflag:s14], $0x2000  }
0x85: {  	[sflag:s14] =	ssyncset.done $0x0  }
0x86: {  	[sflag:s14] =	ssyncadd.s32 $0xFFFFE000  }
0x87: {  	[hbm4b:s26+s2] =	stream.linear.scatter [tilespmem:s15], [sflag:$0x2], $0x2000, $0x38;
	[tilespmem:$0xC300] =	vst v63  }
0x88: {  	_ =	swait.ge [sflag:s16], $0x2000  }
0x89: {  	[sflag:s16] =	ssyncset.done $0x0  }
0x8a: {  	[sflag:s16] =	ssyncadd.s32 $0xFFFFE000  }
0x8b: {  	[hbm4b:s28+s2] =	stream.linear.scatter [tilespmem:s18], [sflag:$0x3], $0x2000, $0x38;
	[tilespmem:$0xC300] =	vst v63  }
0x8c: {  	_ =	swait.ge [sflag:s19], $0x2000  }
0x8d: {  	[sflag:s19] =	ssyncset.done $0x0  }
0x8e: {  	[sflag:s19] =	ssyncadd.s32 $0xFFFFE000  }
0x8f: {  	[hbm4b:s29+s2] =	stream.linear.scatter [tilespmem:s20], [sflag:$0x4], $0x2000, $0x38;
	[tilespmem:$0xC300] =	vst v63  }
0x90: {  	_ =	swait.ge [sflag:s21], $0x2000  }
0x91: {  	[sflag:s21] =	ssyncset.done $0x0  }
0x92: {  	[sflag:s21] =	ssyncadd.s32 $0xFFFFE000  }
0x93: {  	[hbm4b:s30+s2] =	stream.linear.scatter [tilespmem:s23], [sflag:$0x5], $0x2000, $0x38;
	[tilespmem:$0xC300] =	vst v63  }
0x94: {  	_ =	swait.ge [sflag:s22], $0x2000  }
0x95: {  	[sflag:s22] =	ssyncset.done $0x0  }
0x96: {  	[sflag:s22] =	ssyncadd.s32 $0xFFFFE000  }
0x97: {  	[hbm4b:s31+s2] =	stream.linear.scatter [tilespmem:s24], [sflag:$0x6], $0x2000, $0x38;
	[tilespmem:$0xC300] =	vst v63  }
0x98: {  	_ =	swait.ge [sflag:s10], $0x2000  }
0x99: {  	[sflag:s10] =	ssyncset.done $0x0  }
0x9a: {  	[sflag:s10] =	ssyncadd.s32 $0xFFFFE000  }
0x9b: {  	_ =	swait.ge [sflag:s14], $0x2000  }
0x9c: {  	[sflag:s14] =	ssyncset.done $0x0  }
0x9d: {  	[sflag:s14] =	ssyncadd.s32 $0xFFFFE000  }
0x9e: {  	_ =	swait.ge [sflag:s16], $0x2000  }
0x9f: {  	[sflag:s16] =	ssyncset.done $0x0  }
0xa0: {  	[sflag:s16] =	ssyncadd.s32 $0xFFFFE000  }
0xa1: {  	_ =	swait.ge [sflag:s19], $0x2000  }
0xa2: {  	p0 =	sne.s32 s1, $0x1;
	[sflag:s19] =	ssyncset.done $0x0  }
.Ltmp1:
0xa3: {  	[sflag:s19] =	ssyncadd.s32 $0xFFFFE000;
	(pc) =	sbr.rel @p0 .LBB2_2-.Ltmp1, $4  }
0xa4: {  	_ =	swait.ge [sflag:s21], $0x2000  }
0xa5: {  	[sflag:s21] =	ssyncset.done $0x0  }
0xa6: {  	[sflag:s21] =	ssyncadd.s32 $0xFFFFE000  }
0xa7: {  	s1 =	sadd.s32 $0xFFFFFFFF, s1;
	_ =	swait.ge [sflag:s22], $0x2000  }
.LBB2_3:
0xa8: {  	[sflag:s22] =	ssyncset.done $0x0  }
0xa9: {  	[sflag:s22] =	ssyncadd.s32 $0xFFFFE000  }
0xaa: {  	_ =	sfence.sel $0x180000  }
0xab: {  	[bflag:$0x0] =	sbarrier.arrive $0xFFFF  }
0xac: {  	_ =	strace $0x90000047  }
0xad: {  	s0 =	stileid.u32;
	[bflag:$0x2] =	sbarrier.arrive $0xFFFF  }
0xae: {  	p0 =	sne.s32 s0, $0x0;
	s0 =	rddreg [dreg:$0x7]  }
0xaf: {  	s0 =	sadd.s32 @!p0 $0x100000, s0  }
0xb0: {  	[sflag:s0] =	ssyncadd.tile.s32 @!p0 $0x1;
	_ =	shalt  }
.Lfunc_end2:
_tile_overlayer_lowered:
.L_overlay_start_2:
0xb1: {  	(tag) =	ssettag $0x2  }
0xb2: {  	s0 =	rddreg [dreg:$0x0];
	s2 =	stileid.u32  }
0xb3: {  	s1 =	rddreg [dreg:$0x1];
	p0 =	sne.s32 s2, $0x0  }
0xb4: {  	s3 =	rddreg [dreg:$0x2];
	[bflag:$0x3] =	sbarrier.arrive $0xFFFF;
	s2 =	simm.s32 @!p0 $0x1C07  }
0xb5: {  	[timem:s3], [sflag:s2] =	dma.local @!p0 [hbm:s0], s1  }
0xb6: {  	s0 =	simm.s32 @!p0 $0x7  }
0xb7: {  	_ =	swait.ge @!p0 [sflag:s0], s1  }
0xb8: {  	s1 =	ssub.s32 @!p0 $0x0, s1;
	[sflag:s0] =	ssyncset.done @!p0 $0x0  }
0xb9: {  	[sflag:s0] =	ssyncadd.s32 @!p0 s1  }
0xba: {  	[bflag:$0x3] =	sbarrier.arrive $0xFFFF  }
0xbb: {  	_ =	shalt  }

</sc_bundles>
